<compile_context>
chip_gen: v7x
topology: tpu7x:2x2x1
jax: 0.10.2.dev20260603
libtpu: 0.0.44.dev20260713+nightly
codegen_flags: <defaults>
</compile_context>

<pallas_src>
import math
import functools

import jax
import jax.numpy as jnp
from jax import lax
from jax.experimental import pallas as pl
from jax.experimental.pallas import tpu as pltpu
from jax.experimental.pallas import tpu_sc as plsc

STRIDE = 16
SIZES = (128.0, 256.0, 512.0)
RATIOS = (0.5, 1.0, 2.0)
PRE_NMS = 6000
POST_NMS = 1000
NMS_THRESH = 0.7
MIN_SIZE = 1.0
BBOX_CLIP = math.log(1000.0 / 16.0)

T = 128
NT = 48
NPAD = NT * T
NPT = 8


def _conv(x, w, b, pad):
    y = jax.lax.conv_general_dilated(x, w, (1, 1), pad,
                                     dimension_numbers=('NCHW', 'OIHW', 'NCHW'))
    return y + b[None, :, None, None]


def _make_anchors(H, W):
    sizes = jnp.asarray(SIZES, jnp.float32)
    ratios = jnp.asarray(RATIOS, jnp.float32)
    hr = jnp.sqrt(ratios)
    wr = 1.0 / hr
    ws = (wr[:, None] * sizes[None, :]).reshape(-1)
    hs = (hr[:, None] * sizes[None, :]).reshape(-1)
    base = jnp.stack([-ws / 2, -hs / 2, ws / 2, hs / 2], axis=1)
    sx = jnp.arange(W, dtype=jnp.float32) * STRIDE
    sy = jnp.arange(H, dtype=jnp.float32) * STRIDE
    yy, xx = jnp.meshgrid(sy, sx, indexing='ij')
    shifts = jnp.stack([xx, yy, xx, yy], axis=-1).reshape(-1, 4)
    return (shifts[:, None, :] + base[None, :, :]).reshape(-1, 4)


NW = 32
BPW = NPAD // NW
TW = 8


def _sc_gather_body(table_hbm, idx_hbm, out_hbm, idx_v, rows_v, sem):
    wid = lax.axis_index("s") * 2 + lax.axis_index("c")
    base = wid * BPW
    pltpu.sync_copy(idx_hbm.at[pl.ds(base, BPW)], idx_v)
    pltpu.async_copy(table_hbm.at[idx_v], rows_v, sem).wait()
    pltpu.sync_copy(rows_v, out_hbm.at[pl.ds(base, BPW)])


@jax.jit
def _sc_gather(table, idx):
    mesh = plsc.VectorSubcoreMesh(core_axis_name="c", subcore_axis_name="s")
    fn = functools.partial(
        pl.kernel, mesh=mesh,
        out_type=jax.ShapeDtypeStruct((NPAD, TW), jnp.float32),
        scratch_types=[pltpu.VMEM((BPW,), jnp.int32),
                       pltpu.VMEM((BPW, TW), jnp.float32),
                       pltpu.SemaphoreType.DMA],
        compiler_params=pltpu.CompilerParams(use_tc_tiling_on_sc=False),
    )(_sc_gather_body)
    return fn(table, idx)


def _nms_body(coords_ref, out_ref,
              x1_r, y1_r, x2_r, y2_r, ar_r,
              valid_r, kept_r, sup_r):
    f32 = jnp.float32

    x1 = coords_ref[0]; y1 = coords_ref[1]
    x2 = coords_ref[2]; y2 = coords_ref[3]
    ww = x2 - x1
    hh = y2 - y1
    row = jax.lax.broadcasted_iota(jnp.int32, (NT, T), 0)
    lane = jax.lax.broadcasted_iota(jnp.int32, (NT, T), 1)
    real = (row * T + lane) < PRE_NMS
    valid = (ww >= MIN_SIZE) & (hh >= MIN_SIZE) & real
    area = ww * hh

    x1_r[...] = x1; y1_r[...] = y1; x2_r[...] = x2; y2_r[...] = y2
    ar_r[...] = area
    valid_r[...] = valid.astype(jnp.int32)
    kept_r[...] = jnp.zeros((NT, T), jnp.int32)
    sup_r[...] = (~valid).astype(jnp.int32)

    ii = jax.lax.broadcasted_iota(jnp.int32, (T, T), 0)
    jj = jax.lax.broadcasted_iota(jnp.int32, (T, T), 1)
    upper = ii < jj
    id_mat = (ii == jj).astype(f32)
    ones_mat = jnp.ones((T, T), f32)

    def colm(v_row):
        return jnp.dot(jnp.broadcast_to(v_row, (T, T)) * id_mat, ones_mat,
                       preferred_element_type=f32,
                       precision=jax.lax.Precision.HIGHEST)

    def iou_vs_row(ci, tj):
        xi1, yi1, xi2, yi2, ai = ci
        xj1 = x1_r[pl.ds(tj, 1), :]; yj1 = y1_r[pl.ds(tj, 1), :]
        xj2 = x2_r[pl.ds(tj, 1), :]; yj2 = y2_r[pl.ds(tj, 1), :]
        aj = ar_r[pl.ds(tj, 1), :]
        ltx = jnp.maximum(xi1, xj1)
        lty = jnp.maximum(yi1, yj1)
        rbx = jnp.minimum(xi2, xj2)
        rby = jnp.minimum(yi2, yj2)
        iw = jnp.clip(rbx - ltx, 0.0, None)
        ih = jnp.clip(rby - lty, 0.0, None)
        inter = iw * ih
        return inter / (ai + aj - inter + 1e-9)

    def tile_step(tk, carry):
        ci = (colm(x1_r[pl.ds(tk, 1), :]), colm(y1_r[pl.ds(tk, 1), :]),
              colm(x2_r[pl.ds(tk, 1), :]), colm(y2_r[pl.ds(tk, 1), :]),
              colm(ar_r[pl.ds(tk, 1), :]))
        M = (iou_vs_row(ci, tk) > NMS_THRESH) & upper
        Mf = M.astype(f32)
        S0 = sup_r[pl.ds(tk, 1), :]
        K0 = jnp.zeros((1, T), jnp.int32)

        def fix_cond(st):
            _, _, done = st
            return done == 0

        def fix_body(st):
            Ki, Si, _ = st
            K = Ki != 0
            S = Si != 0
            blocked = jnp.max(Mf * colm((~S).astype(f32)), axis=0,
                              keepdims=True) > 0.0
            Kn = (~S) & (~blocked)
            Sn = S | ((jnp.max(Mf * colm(Kn.astype(f32)), axis=0,
                               keepdims=True) > 0.0) & (~Kn))
            done = (jnp.all(Kn == K) & jnp.all(Sn == S)).astype(jnp.int32)
            return Kn.astype(jnp.int32), Sn.astype(jnp.int32), done

        Ki, _, _ = jax.lax.while_loop(fix_cond, fix_body,
                                      (K0, S0, jnp.int32(0)))
        kept_r[pl.ds(tk, 1), :] = Ki
        K = Ki != 0

        kept_col = colm(K.astype(f32))

        def fwd_body(tj, c):
            ov = iou_vs_row(ci, tj) > NMS_THRESH
            hit = jnp.max(ov.astype(f32) * kept_col, axis=0, keepdims=True) > 0.0
            sup_r[pl.ds(tj, 1), :] = sup_r[pl.ds(tj, 1), :] | hit.astype(jnp.int32)
            return c

        jax.lax.fori_loop(tk + 1, NT, fwd_body, 0)
        return carry

    jax.lax.fori_loop(0, NT, tile_step, 0)

    kept = kept_r[...] != 0
    validb = valid_r[...] != 0
    mk = kept.astype(f32)
    mv = (validb & (~kept)).astype(f32)
    mi = ((~validb) & real).astype(f32)
    tri_lane = (jax.lax.broadcasted_iota(jnp.int32, (T, T), 0)
                <= jax.lax.broadcasted_iota(jnp.int32, (T, T), 1)).astype(f32)
    tri_row_s = (jax.lax.broadcasted_iota(jnp.int32, (NT, NT), 0)
                 > jax.lax.broadcasted_iota(jnp.int32, (NT, NT), 1)).astype(f32)
    onesT = jnp.ones((T, 1), f32)

    def flat_cumsum(m):
        incl = jnp.dot(m, tri_lane, preferred_element_type=f32,
                       precision=jax.lax.Precision.HIGHEST)
        rowtot = jnp.dot(m, onesT, preferred_element_type=f32,
                       precision=jax.lax.Precision.HIGHEST)
        offs = jnp.dot(tri_row_s, rowtot, preferred_element_type=f32,
                       precision=jax.lax.Precision.HIGHEST)
        return incl + offs

    nk = jnp.sum(mk)
    nv = jnp.sum(mv)
    rk = flat_cumsum(mk) - 1.0
    rv = nk + flat_cumsum(mv) - 1.0
    ri = nk + nv + flat_cumsum(mi) - 1.0
    rank = jnp.where(kept, rk, jnp.where(mv > 0, rv,
                     jnp.where(mi > 0, ri, jnp.float32(NPAD))))
    rank_i = rank.astype(jnp.int32)

    out_ref[...] = jnp.zeros((NPT * T, 4), f32)
    rank_r = valid_r
    rank_r[...] = rank_i

    def perm_body(tk, c):
        rrow = rank_r[pl.ds(tk, 1), :]
        b_tile = jnp.concatenate(
            [colm(x1_r[pl.ds(tk, 1), :])[:, :1],
             colm(y1_r[pl.ds(tk, 1), :])[:, :1],
             colm(x2_r[pl.ds(tk, 1), :])[:, :1],
             colm(y2_r[pl.ds(tk, 1), :])[:, :1]], axis=1)
        rmat = jnp.broadcast_to(rrow, (T, T))
        for pt in range(NPT):
            psub = (rmat == (ii + pt * T)).astype(f32)
            contrib = jnp.dot(psub, b_tile, preferred_element_type=f32,
                              precision=jax.lax.Precision.HIGHEST)
            sl = pl.ds(pt * T, T)
            out_ref[sl, :] = out_ref[sl, :] + contrib
        return c

    jax.lax.fori_loop(0, NT, perm_body, 0)


@jax.jit
def _nms_pallas(coords):
    f32 = jnp.float32
    out = pl.pallas_call(
        _nms_body,
        out_shape=jax.ShapeDtypeStruct((NPT * T, 4), f32),
        in_specs=[pl.BlockSpec(memory_space=pltpu.VMEM)],
        scratch_shapes=([pltpu.VMEM((NT, T), f32)] * 5
                        + [pltpu.VMEM((NT, T), jnp.int32)] * 3),
    )(coords)
    return out


def kernel(feature, image_shape, Wc, bc, Wo, bo, Wb, bb):
    H, Wd = feature.shape[2], feature.shape[3]
    anchor = _make_anchors(H, Wd)
    t = jax.nn.relu(_conv(feature, Wc, bc, 'SAME'))
    obj = _conv(t, Wo, bo, 'VALID')
    delta = _conv(t, Wb, bb, 'VALID')
    objectness = jnp.transpose(obj, (0, 2, 3, 1)).reshape(-1)
    pred = jnp.transpose(delta, (0, 2, 3, 1)).reshape(-1, 4)

    _, top_idx = jax.lax.top_k(objectness, PRE_NMS)
    idx_pad = jnp.concatenate(
        [top_idx, jnp.arange(NPAD - PRE_NMS, dtype=top_idx.dtype)])
    table = jnp.concatenate([pred, anchor], axis=1)
    rows = _sc_gather(table, idx_pad)
    delta_g = rows[:, :4]
    anchor_g = rows[:, 4:8]

    wa = anchor_g[:, 2] - anchor_g[:, 0]
    ha = anchor_g[:, 3] - anchor_g[:, 1]
    cxa = anchor_g[:, 0] + 0.5 * wa
    cya = anchor_g[:, 1] + 0.5 * ha
    dx = delta_g[:, 0]
    dy = delta_g[:, 1]
    dw = jnp.minimum(delta_g[:, 2], BBOX_CLIP)
    dh = jnp.minimum(delta_g[:, 3], BBOX_CLIP)
    cx = dx * wa + cxa
    cy = dy * ha + cya
    w = jnp.exp(dw) * wa
    h = jnp.exp(dh) * ha
    img = jnp.asarray(image_shape, jnp.float32)
    x1 = jnp.clip(cx - 0.5 * w, 0.0, img[1])
    y1 = jnp.clip(cy - 0.5 * h, 0.0, img[0])
    x2 = jnp.clip(cx + 0.5 * w, 0.0, img[1])
    y2 = jnp.clip(cy + 0.5 * h, 0.0, img[0])
    coords = jnp.stack([x1, y1, x2, y2]).reshape(4, NT, T)

    out_full = _nms_pallas(coords)
    return out_full[:POST_NMS]

# --- scband reference (transcript-rebuilt; emitter-appended) ---
"""Pipeline reference for scband-region-proposal-network-5506148073793 (READ-ONLY COPY).

The authoritative reference and input builder live on the scoring server;
editing this copy changes nothing except your own understanding.
"""

import math
import jax, jax.numpy as jnp
import numpy as np

STRIDE = 16
SIZES = (128.0, 256.0, 512.0)
RATIOS = (0.5, 1.0, 2.0)
PRE_NMS = 6000
POST_NMS = 1000
NMS_THRESH = 0.7
MIN_SIZE = 1.0
REG_W = (1.0, 1.0, 1.0, 1.0)
BBOX_CLIP = math.log(1000.0 / 16.0)


def _conv(x, w, b, pad):
    y = jax.lax.conv_general_dilated(x, w, (1, 1), pad,
                                     dimension_numbers=('NCHW', 'OIHW', 'NCHW'))
    return y + b[None, :, None, None]


def _make_anchors(H, W):
    sizes = jnp.asarray(SIZES, jnp.float32)
    ratios = jnp.asarray(RATIOS, jnp.float32)
    hr = jnp.sqrt(ratios)
    wr = 1.0 / hr
    ws = (wr[:, None] * sizes[None, :]).reshape(-1)
    hs = (hr[:, None] * sizes[None, :]).reshape(-1)
    base = jnp.stack([-ws / 2, -hs / 2, ws / 2, hs / 2], axis=1)  # [A,4]
    sx = jnp.arange(W, dtype=jnp.float32) * STRIDE
    sy = jnp.arange(H, dtype=jnp.float32) * STRIDE
    yy, xx = jnp.meshgrid(sy, sx, indexing='ij')
    shifts = jnp.stack([xx, yy, xx, yy], axis=-1).reshape(-1, 4)  # [H*W,4]
    return (shifts[:, None, :] + base[None, :, :]).reshape(-1, 4)  # [H*W*A,4] in (H,W,A) order


def _decode(delta, anchor):
    wa = anchor[:, 2] - anchor[:, 0]
    ha = anchor[:, 3] - anchor[:, 1]
    cxa = anchor[:, 0] + 0.5 * wa
    cya = anchor[:, 1] + 0.5 * ha
    dx = delta[:, 0] / REG_W[0]
    dy = delta[:, 1] / REG_W[1]
    dw = jnp.minimum(delta[:, 2] / REG_W[2], BBOX_CLIP)
    dh = jnp.minimum(delta[:, 3] / REG_W[3], BBOX_CLIP)
    cx = dx * wa + cxa
    cy = dy * ha + cya
    w = jnp.exp(dw) * wa
    h = jnp.exp(dh) * ha
    return jnp.stack([cx - 0.5 * w, cy - 0.5 * h, cx + 0.5 * w, cy + 0.5 * h], axis=1)


def _iou_one(box, boxes):
    lt = jnp.maximum(box[:2], boxes[:, :2])
    rb = jnp.minimum(box[2:], boxes[:, 2:])
    wh = jnp.clip(rb - lt, 0.0, None)
    inter = wh[:, 0] * wh[:, 1]
    a1 = (box[2] - box[0]) * (box[3] - box[1])
    a2 = (boxes[:, 2] - boxes[:, 0]) * (boxes[:, 3] - boxes[:, 1])
    return inter / (a1 + a2 - inter + 1e-9)


def _rpn_forward(feature, image_shape, Wc, bc, Wo, bo, Wb, bb):
    H, Wd = feature.shape[2], feature.shape[3]
    anchor = _make_anchors(H, Wd)
    # RPN head: 3x3 conv + relu, then 1x1 objectness / 1x1 bbox heads
    t = jax.nn.relu(_conv(feature, Wc, bc, 'SAME'))
    obj = _conv(t, Wo, bo, 'VALID')
    delta = _conv(t, Wb, bb, 'VALID')
    # permute(0,2,3,1).flatten / .reshape(-1,4) as in torch
    objectness = jnp.transpose(obj, (0, 2, 3, 1)).reshape(-1)
    pred = jnp.transpose(delta, (0, 2, 3, 1)).reshape(-1, 4)
    pre_n = min(objectness.shape[0], PRE_NMS)
    score, top_idx = jax.lax.top_k(objectness, pre_n)
    proposal = _decode(pred[top_idx], anchor[top_idx])
    # process_box: clip to image, mask boxes smaller than min_size (fixed-shape masking)
    img = jnp.asarray(image_shape, jnp.float32)
    x1 = jnp.clip(proposal[:, 0], 0.0, img[1])
    y1 = jnp.clip(proposal[:, 1], 0.0, img[0])
    x2 = jnp.clip(proposal[:, 2], 0.0, img[1])
    y2 = jnp.clip(proposal[:, 3], 0.0, img[0])
    proposal = jnp.stack([x1, y1, x2, y2], axis=1)
    ww = x2 - x1
    hh = y2 - y1
    valid = (ww >= MIN_SIZE) & (hh >= MIN_SIZE)
    score = jnp.where(valid, score, -jnp.inf)
    # greedy NMS (fixed-size): sort by score, iteratively suppress
    order = jnp.argsort(-score)
    b = proposal[order]
    s = score[order]
    bd = jax.lax.stop_gradient(b)
    n = b.shape[0]

    def body(i, keep):
        iou = _iou_one(bd[i], bd)
        sup = (iou > NMS_THRESH) & (jnp.arange(n) > i) & keep[i]
        return keep & (~sup)

    keep = jax.lax.fori_loop(0, n, body, s > -jnp.inf)
    sel = jnp.where(keep, jax.lax.stop_gradient(s), -jnp.inf)
    _, kidx = jax.lax.top_k(sel, POST_NMS)
    return b[kidx]


def setup_inputs(seed: int = 0):
    key = jax.random.key(seed)
    ks = jax.random.split(key, 4)
    feature = jax.random.normal(ks[0], (1, 256, 50, 50), dtype=jnp.float32)
    Wc = jax.random.normal(ks[1], (256, 256, 3, 3), dtype=jnp.float32) * 0.01
    bc = jnp.zeros((256,), jnp.float32)
    Wo = jax.random.normal(ks[2], (9, 256, 1, 1), dtype=jnp.float32) * 0.01
    bo = jnp.zeros((9,), jnp.float32)
    Wb = jax.random.normal(ks[3], (36, 256, 1, 1), dtype=jnp.float32) * 0.01
    bb = jnp.zeros((36,), jnp.float32)
    image_shape = jnp.array([800, 800], dtype=jnp.int32)
    return {"feature": feature, "image_shape": image_shape, "Wc": Wc, "bc": bc,
            "Wo": Wo, "bo": bo, "Wb": Wb, "bb": bb}


def reference(feature, image_shape, Wc, bc, Wo, bo, Wb, bb):
    return _rpn_forward(feature, image_shape, Wc, bc, Wo, bo, Wb, bb)

if __name__ == "__main__":
    import jax
    _d = setup_inputs()
    print(jax.jit(kernel)(*tuple(_d.values())))

</pallas_src>

<mosaic_0001>
#map = affine_map<(d0, d1) -> (0, 0)>
#map1 = affine_map<(d0, d1) -> (0)>
module attributes {stable_mosaic.version = 14 : i64} {
  func.func @_sc_gather_body(%arg0: i32, %arg1: i32, %arg2: memref<22500x8xf32, #tpu.memory_space<hbm>>, %arg3: memref<6144xi32, #tpu.memory_space<hbm>>, %arg4: memref<6144x8xf32, #tpu.memory_space<hbm>>, %arg5: memref<192xi32, #tpu.memory_space<vmem>>, %arg6: memref<192x8xf32, #tpu.memory_space<vmem>>, %arg7: memref<!tpu.dma_semaphore, #tpu.memory_space<semaphore_mem>>) attributes {dimension_semantics = [#tpu.dimension_semantics<core_parallel>, #tpu.dimension_semantics<subcore_parallel>], iteration_bounds = array<i64: 2, 16>, scalar_prefetch = 0 : i64, scratch_operands = 3 : i64, tpu.core_type = #tpu.core_type<sc_vector_subcore>, window_params = [{transform_indices = #map}, {transform_indices = #map1}, {transform_indices = #map}]} {
    %mul3A = arith.constant 2 : i32
    %mul3A_0 = arith.muli %arg1, %mul3A : i32
    %add3A = arith.addi %mul3A_0, %arg0 : i32
    %mul3A_1 = arith.constant 192 : i32
    %mul3A_2 = arith.muli %add3A, %mul3A_1 : i32
    "tpu.region"() ({
      %run_scoped3A = tpu.sem_alloc : memref<!tpu.dma_semaphore, #tpu.memory_space<semaphore_mem>>
      %dma_start3A_7 = tpu.memref_slice %arg3[%mul3A_2] : memref<6144xi32, #tpu.memory_space<hbm>> -> memref<192xi32, #tpu.memory_space<hbm>>
      %dma_start3A_8 = tpu.memref_slice %arg3[%mul3A_2] : memref<6144xi32, #tpu.memory_space<hbm>> -> memref<192xi32, #tpu.memory_space<hbm>>
      tpu.enqueue_dma source(%dma_start3A_8 : memref<192xi32, #tpu.memory_space<hbm>>) target(%arg5 : memref<192xi32, #tpu.memory_space<vmem>>) target_semaphore(%run_scoped3A : memref<!tpu.dma_semaphore, #tpu.memory_space<semaphore_mem>>)
      %dma_wait3A_9 = tpu.memref_slice %arg3[%mul3A_2] : memref<6144xi32, #tpu.memory_space<hbm>> -> memref<192xi32, #tpu.memory_space<hbm>>
      %dma_wait3A_10 = tpu.memref_slice %arg3[%mul3A_2] : memref<6144xi32, #tpu.memory_space<hbm>> -> memref<192xi32, #tpu.memory_space<hbm>>
      tpu.wait_dma2 semaphore(%run_scoped3A : memref<!tpu.dma_semaphore, #tpu.memory_space<semaphore_mem>>) src(%dma_wait3A_10 : memref<192xi32, #tpu.memory_space<hbm>>) dst(%arg5 : memref<192xi32, #tpu.memory_space<vmem>>)
      tpu.yield
    }) : () -> ()
    %dma_start3A = arith.constant 0 : i32
    %dma_start3A_3 = arith.constant 0 : i32
    %dma_start3A_4 = tpu.memref_slice %arg2[%dma_start3A, %dma_start3A_3] : memref<22500x8xf32, #tpu.memory_space<hbm>> -> memref<22500x8xf32, #tpu.memory_space<hbm>>
    tpu.enqueue_indirect_dma source(%dma_start3A_4 : memref<22500x8xf32, #tpu.memory_space<hbm>>) target(%arg6 : memref<192x8xf32, #tpu.memory_space<vmem>>) offsets(%arg5 : memref<192xi32, #tpu.memory_space<vmem>>) semaphore(%arg7 : memref<!tpu.dma_semaphore, #tpu.memory_space<semaphore_mem>>)
    %dma_wait3A = arith.constant 0 : i32
    %dma_wait3A_5 = arith.constant 0 : i32
    %dma_wait3A_6 = tpu.memref_slice %arg2[%dma_wait3A, %dma_wait3A_5] : memref<22500x8xf32, #tpu.memory_space<hbm>> -> memref<22500x8xf32, #tpu.memory_space<hbm>>
    tpu.wait_indirect_dma semaphore(%arg7 : memref<!tpu.dma_semaphore, #tpu.memory_space<semaphore_mem>>) src(%dma_wait3A_6 : memref<22500x8xf32, #tpu.memory_space<hbm>>) dst(%arg6 : memref<192x8xf32, #tpu.memory_space<vmem>>)
    "tpu.region"() ({
      %run_scoped3A = tpu.sem_alloc : memref<!tpu.dma_semaphore, #tpu.memory_space<semaphore_mem>>
      %dma_start3A_7 = arith.constant 0 : i32
      %dma_start3A_8 = tpu.memref_slice %arg4[%mul3A_2, %dma_start3A_7] : memref<6144x8xf32, #tpu.memory_space<hbm>> -> memref<192x8xf32, #tpu.memory_space<hbm>>
      %dma_start3A_9 = arith.constant 0 : i32
      %dma_start3A_10 = tpu.memref_slice %arg4[%mul3A_2, %dma_start3A_9] : memref<6144x8xf32, #tpu.memory_space<hbm>> -> memref<192x8xf32, #tpu.memory_space<hbm>>
      tpu.enqueue_dma source(%arg6 : memref<192x8xf32, #tpu.memory_space<vmem>>) target(%dma_start3A_10 : memref<192x8xf32, #tpu.memory_space<hbm>>) target_semaphore(%run_scoped3A : memref<!tpu.dma_semaphore, #tpu.memory_space<semaphore_mem>>)
      %dma_wait3A_11 = arith.constant 0 : i32
      %dma_wait3A_12 = tpu.memref_slice %arg4[%mul3A_2, %dma_wait3A_11] : memref<6144x8xf32, #tpu.memory_space<hbm>> -> memref<192x8xf32, #tpu.memory_space<hbm>>
      %dma_wait3A_13 = arith.constant 0 : i32
      %dma_wait3A_14 = tpu.memref_slice %arg4[%mul3A_2, %dma_wait3A_13] : memref<6144x8xf32, #tpu.memory_space<hbm>> -> memref<192x8xf32, #tpu.memory_space<hbm>>
      tpu.wait_dma2 semaphore(%run_scoped3A : memref<!tpu.dma_semaphore, #tpu.memory_space<semaphore_mem>>) src(%arg6 : memref<192x8xf32, #tpu.memory_space<vmem>>) dst(%dma_wait3A_14 : memref<192x8xf32, #tpu.memory_space<hbm>>)
      tpu.yield
    }) : () -> ()
    return
  }
}

</mosaic_0001>

<sc_bundles>
// kernel: _sc_gather.3.cloned.1.call-start
scs
__scs_entry_jumppad:
0x0: {  	(pc) =	sbr.rel $0x88, $3  }
0x1: {  	(tag) =	ssettag $0x0;
	lr =	simm.s32 $0x1  }
0x2: {  	[smem:$0x3F9F] =	sst lr;
	_ =	strace $0xD0000000  }
0x3: {  	_ = 	snop  }
0x4: {  	_ = 	snop  }
0x5: {  	_ = 	snop  }
0x6: {  	_ = 	snop  }
0x7: {  	_ = 	snop  }
__scs_overlays_trampoline_lowered:
0x8: {  	[smem:$0x3FAE] =	sst s0  }
0x9: {  	[smem:$0x3FAF] =	sst s1  }
0xa: {  	[smem:$0x3FB0] =	sst s2  }
0xb: {  	[smem:$0x3FB1] =	sst s3  }
0xc: {  	[smem:$0x3FB2] =	sst s4  }
0xd: {  	[smem:$0x3FB3] =	sst s5  }
0xe: {  	[smem:$0x3FB4] =	sst s6  }
0xf: {  	[smem:$0x3FB5] =	sst s7  }
0x10: {  	[smem:$0x3FB6] =	sst s8  }
0x11: {  	[smem:$0x3FB7] =	sst s9;
	s0 =	simm.s32 @!p0 $0x0  }
0x12: {  	s1 =	sld [smem:$0x3F9D];
	s0 =	simm.s32 @p0 $0x1  }
0x13: {  	[smem:$0x3FB8] =	sst s0;
	s0 =	simm.s32 @!p1 $0x0  }
0x14: {  	s2 =	sld [smem:$0x3F9C];
	s0 =	simm.s32 @p1 $0x1  }
0x15: {  	[smem:$0x3FB9] =	sst s0;
	s0 =	simm.s32 @!p2 $0x0  }
0x16: {  	s3 =	sld [smem:$0x3FDB];
	s0 =	simm.s32 @p2 $0x1  }
0x17: {  	s4 =	simm.s32 $0x1BF5;
	[smem:$0x3FBB] =	sst s0  }
0x18: {  	s0 =	sld [smem:$0x3F9E];
	_ =	swait.ge [sflag:s4], $0x0  }
0x19: {  	s7 =	sld [smem:$0x3F9F]  }
0x1a: {  	s8 =	sadd.s32 $0xFFFFE003, lr  }
0x1b: {  	s9 =	sadd.s32 $0xFFFFFEF7, lr;
	s5 =	simm.s32 $0xFFFFFFFF;
	p2 =	slt.u32 s8, $0xFFFFF086  }
0x1c: {  	p1 =	slt.u32 s9, $0xF7A;
	s5 =	simm.s32 @!p2 $0x0  }
0x1d: {  	s5 =	simm.s32 @p1 $0x1;
	p0 =	seq.s32 s7, s2  }
0x1e: {  	s7 =	smul.u32 @!p0 $0xF7A, s2;
	p2 =	seq.s32 @!p0 s5, $0x0  }
0x1f: {  	s9 =	smul.u32 $0xF7A, s1;
	s8 =	simm.s32 @!p0 $0x1BF5;
	p2 =	por !p2, p0  }
0x20: {  	[sflag:s8] =	ssyncset.s32 @!p0 $0xFFFFF086;
	s6 =	sadd.s32 @!p0 s3, s7;
	s7 =	simm.s32 @!p0 $0x108  }
0x21: {  	s3 =	sadd.s32 s3, s9;
	s6 =	sadd.s32 @!p0 $0x88, s6;
	s7 =	simm.s32 @p2 $0x1082  }
0x22: {  	[simem:s7], [sflag:s8] =	dma.local @!p0 [hbm:s6], $0xF7A  }
0x23: {  	s9 =	sor.u32 $0xD0000000, s2;
	s6 =	simm.s32 $0x108;
	_ =	swait.ge @!p0 [sflag:s8], $0x0  }
0x24: {  	s3 =	sadd.s32 $0x88, s3;
	s6 =	simm.s32 @!p1 $0x1082;
	[sflag:s4] =	ssyncset.s32 $0xFFFFF086  }
0x25: {  	[simem:s6], [sflag:s4] =	dma.local [hbm:s3], $0xF7A  }
0x26: {  	[smem:$0x3F9F] =	sst s1;
	(tag) =	ssettag s2;
	_ =	strace s9  }
0x27: {  	s1 =	sld [smem:$0x3FAF]  }
0x28: {  	s2 =	sld [smem:$0x3FB0]  }
0x29: {  	s4 =	sld [smem:$0x3FB2]  }
0x2a: {  	p0 =	seq.s32 s5, $0x0;
	s5 =	sld [smem:$0x3FB3]  }
0x2b: {  	s6 =	sld [smem:$0x3FB4]  }
0x2c: {  	s7 =	sld [smem:$0x3FB5]  }
0x2d: {  	s3 =	simm.s32 $0x108;
	s8 =	sld [smem:$0x3FB6]  }
0x2e: {  	s3 =	simm.s32 @!p0 $0x1082;
	s9 =	sld [smem:$0x3FB7]  }
0x2f: {  	lr =	sadd.s32 s0, s3;
	s0 =	sld [smem:$0x3FAE]  }
0x30: {  	s3 =	sld [smem:$0x3FB1]  }
0x31: {  	[smem:$0x3FBA] =	sst s10  }
0x32: {  	s10 =	sld [smem:$0x3FB8];
	_ =	sdelay $0x3  }
0x33: {  	p0 =	seq.s32 s10, $0x1;
	s10 =	sld [smem:$0x3FBA];
	_ =	sdelay $0x3  }
0x34: {  	[smem:$0x3FBA] =	sst s10  }
0x35: {  	s10 =	sld [smem:$0x3FB9];
	_ =	sdelay $0x3  }
0x36: {  	p1 =	seq.s32 s10, $0x1;
	s10 =	sld [smem:$0x3FBA];
	_ =	sdelay $0x3  }
0x37: {  	[smem:$0x3FBA] =	sst s10  }
0x38: {  	s10 =	sld [smem:$0x3FBB]  }
0x39: {  	_ = 	snop;
	(pc) =	sbr.ind lr, $3  }
0x3a: {  	_ = 	snop  }
0x3b: {  	_ = 	snop  }
0x3c: {  	p2 =	seq.s32 s10, $0x1;
	s10 =	sld [smem:$0x3FBA]  }
0x3d: {  	_ =	shalt  }
0x3e: {  	_ =	shalt  }
0x3f: {  	_ =	shalt  }
0x40: {  	_ =	shalt  }
0x41: {  	_ =	shalt  }
0x42: {  	_ =	shalt  }
0x43: {  	_ =	shalt  }
0x44: {  	_ =	shalt  }
0x45: {  	_ =	shalt  }
0x46: {  	_ =	shalt  }
0x47: {  	_ =	shalt  }
0x48: {  	_ =	shalt  }
0x49: {  	_ =	shalt  }
0x4a: {  	_ =	shalt  }
0x4b: {  	_ =	shalt  }
0x4c: {  	_ =	shalt  }
0x4d: {  	_ =	shalt  }
0x4e: {  	_ =	shalt  }
0x4f: {  	_ =	shalt  }
0x50: {  	_ =	shalt  }
0x51: {  	_ =	shalt  }
0x52: {  	_ =	shalt  }
0x53: {  	_ =	shalt  }
0x54: {  	_ =	shalt  }
0x55: {  	_ =	shalt  }
0x56: {  	_ =	shalt  }
0x57: {  	_ =	shalt  }
0x58: {  	_ =	shalt  }
0x59: {  	_ =	shalt  }
0x5a: {  	_ =	shalt  }
0x5b: {  	_ =	shalt  }
0x5c: {  	_ =	shalt  }
0x5d: {  	_ =	shalt  }
0x5e: {  	_ =	shalt  }
0x5f: {  	_ =	shalt  }
0x60: {  	_ =	shalt  }
0x61: {  	_ =	shalt  }
0x62: {  	_ =	shalt  }
0x63: {  	_ =	shalt  }
0x64: {  	_ =	shalt  }
0x65: {  	_ =	shalt  }
0x66: {  	_ =	shalt  }
0x67: {  	_ =	shalt  }
0x68: {  	_ =	shalt  }
0x69: {  	_ =	shalt  }
0x6a: {  	_ =	shalt  }
0x6b: {  	_ =	shalt  }
0x6c: {  	_ =	shalt  }
0x6d: {  	_ =	shalt  }
0x6e: {  	_ =	shalt  }
0x6f: {  	_ =	shalt  }
0x70: {  	_ =	shalt  }
0x71: {  	_ =	shalt  }
0x72: {  	_ =	shalt  }
0x73: {  	_ =	shalt  }
0x74: {  	_ =	shalt  }
0x75: {  	_ =	shalt  }
0x76: {  	_ =	shalt  }
0x77: {  	_ =	shalt  }
0x78: {  	_ =	shalt  }
0x79: {  	_ =	shalt  }
0x7a: {  	_ =	shalt  }
0x7b: {  	_ =	shalt  }
0x7c: {  	_ =	shalt  }
0x7d: {  	_ =	shalt  }
0x7e: {  	_ =	shalt  }
0x7f: {  	_ =	shalt  }
0x80: {  	_ =	shalt  }
0x81: {  	_ =	shalt  }
0x82: {  	_ =	shalt  }
0x83: {  	_ =	shalt  }
0x84: {  	_ =	shalt  }
0x85: {  	_ =	shalt  }
0x86: {  	_ =	shalt  }
0x87: {  	_ =	shalt  }
.Lfunc_end0:
.L_simem_size_0:
called_computation_lowered:
.L_overlay_start_0:
0x88: {  	s2 =	sld [smem:$0x3FD9]  }
0x89: {  	s3 =	sld [smem:$0x3FFE];
	_ =	sdelay $0x1  }
0x8a: {  	s1 =	srdreg.scid  }
0x8b: {  	s0 =	sand.u32 $0x1, s1  }
0x8c: {  	s17 =	sshll.u32 s0, $0xA;
	s2 =	sadd.s32 s3, s2  }
0x8d: {  	s2 =	sadd.s32 s2, s17  }
0x8e: {  	[smem:$0x3FC6] =	sst s2  }
0x8f: {  	_ = 	snop  }
0x90: {  	s2 =	sld [smem:$0x3FC8]  }
0x91: {  	s18 =	sld [smem:$0x3FD0];
	(tm) =	ssettm $0x1  }
0x92: {  	s4 =	sld [smem:$0x3FFB];
	_ =	sdelay $0x3  }
0x93: {  	_ =	strace s4  }
0x94: {  	s4 =	sld [smem:$0x3FFC];
	_ =	sdelay $0x3  }
0x95: {  	_ =	strace s4  }
0x96: {  	s4 =	sld [smem:$0x3FFD];
	_ =	sdelay $0x3  }
0x97: {  	_ =	strace s4  }
0x98: {  	_ =	strace $0x8FFFFFFF  }
0x99: {  	s19 =	sld [smem:$0x3FDB];
	_ =	sdelay $0x1  }
0x9a: {  	s5 =	simm.s32 $_scs_section_size  }
0x9b: {  	s6 =	simm.s32 $_size__tile_overlayer_lowered;
	s7 =	simm.s32 $_tile_overlayer_lowered  }
0x9c: {  	s22 =	simm.s32 $0x1BFF;
	s21 =	sshll.u32 s7, $0x1;
	s4 =	sadd.s32 s5, s19  }
0x9d: {  	s8 =	simm.s32 $0x0;
	s20 =	sshll.u32 s6, $0x1;
	s6 =	sadd.s32 s21, s4  }
0x9e: {  	[timem:s8], [sflag:s22] =	dma.local [hbm:s6], s20  }
0x9f: {  	_ =	swait.ge [sflag:s22], s20  }
0xa0: {  	s5 =	ssub.s32 $0x0, s20;
	[sflag:s22] =	ssyncset.done $0x0  }
0xa1: {  	[sflag:s22] =	ssyncadd.s32 s5;
	_ =	sdelay $0x1  }
0xa2: {  	s23 =	simm.s32 $0x1B8B  }
0xa3: {  	_ =	swait.ge [sflag:s23], $0x1  }
0xa4: {  	[sflag:s23] =	ssyncset.done $0x0  }
0xa5: {  	s25 =	simm.s32 $0x1B8E;
	s24 =	sld [smem:$0x3FFE];
	[sflag:s23] =	ssyncadd.s32 $0xFFFFFFFF  }
0xa6: {  	s26 =	simm.s32 $execute0_lowered;
	[smem:$0x3FD2] =	sst s25  }
0xa7: {  	s6 =	sshll.u32 s26, $0x1;
	_ =	strace $0x80000046;
	[dreg:$0x1] =	wrdreg $0xFFFFFFFF  }
0xa8: {  	s28 =	simm.s32 $_size_execute0_lowered;
	s4 =	sadd.s32 s4, s6;
	[dreg:$0x0] =	wrdreg $0x0  }
0xa9: {  	s6 =	sshll.u32 s28, $0x1;
	[dreg:$0x2] =	wrdreg s4  }
0xaa: {  	[dreg:$0x3] =	wrdreg s6  }
0xab: {  	[dreg:$0x4] =	wrdreg $0xC0  }
0xac: {  	_ =	task [dreg:s8], $0x5FFFF  }
0xad: {  	[dreg:$0x1] =	wrdreg $0xFFFFFFFF  }
0xae: {  	[dreg:$0x0] =	wrdreg $0x60  }
0xaf: {  	[dreg:$0x2] =	wrdreg s24  }
0xb0: {  	[dreg:$0x3] =	wrdreg s2  }
0xb1: {  	[dreg:$0x4] =	wrdreg s18  }
0xb2: {  	[dreg:$0x5] =	wrdreg $0x9  }
0xb3: {  	_ =	task.clear_ibuf [dreg:s8], $0x6FFFF;
	_ =	strace $0x90000046  }
0xb4: {  	s29 =	simm.s32 $0x9;
	_ =	strace $0x80000048  }
0xb5: {  	_ =	swait.ge [sflag:s29], $0x1  }
0xb6: {  	[sflag:s29] =	ssyncadd.s32 $0xFFFFFFFF  }
0xb7: {  	_ =	strace $0x90000048  }
0xb8: {  	_ =	sfence  }
0xb9: {  	s30 =	sld [smem:$0x0];
	_ =	sdelay $0x2  }
0xba: {  	s31 =	sshll.u32 s1, $0xD;
	s1 =	sshrl.u32 s1, $0x2  }
0xbb: {  	s3 =	sand.u32 $0x4000, s31;
	s1 =	sadd.s32 s1, s30  }
0xbc: {  	s0 =	sor.u32 s3, s0;
	s1 =	sshll.u32 s1, $0x11  }
0xbd: {  	s0 =	sor.u32 s1, s0  }
0xbe: {  	s0 =	sadd.s32 $0x8F2B, s0  }
0xbf: {  	[sflag:s0] =	ssyncadd.remote.s32 $0x1  }
0xc0: {  	_ =	sfence.sel $0xFFFF  }
0xc1: {  	[dreg:$0x0] =	wrdreg $0xFFFFFFFF;
	(pc) =	sbr.abs _section_cstart, $3  }
0xc2: {  	[dreg:$0x1] =	wrdreg $0xFFFFFFFF  }
0xc3: {  	_ =	task.clear_ibuf [dreg:s8], $0x2FFFF;
	_ =	strace $0x9FFFFFFF  }
0xc4: {  	(tm) =	ssettm $0x7FFFFFFF  }
0xc5: {  	_ =	shalt  }
tec
execute0_lowered:
.L_overlay_start_1:
0x0: {  	(tag) =	ssettag $0x1  }
0x1: {  	s5 =	rddreg [dreg:$0x0]  }
0x2: {  	s1 =	srdreg.scid;
	s0 =	stileid.u32  }
0x3: {  	s3 =	rddreg [dreg:$0x1];
	s6 =	sand.u32 $0x1, s1;
	s30 =	sshll.u32 s0, $0x1  }
0x4: {  	s8 =	rddreg [dreg:$0x2];
	s2 =	simm.s32 $0x0;
	s9 =	sor.u32 s6, s30  }
0x5: {  	[smem:$0x7FF] =	sst s2;
	s4 =	smul.u32 $0x18, s9  }
0x6: {  	s1 =	rddreg [dreg:$0x3];
	_ =	strace $0x80000047  }
0x7: {  	s10 =	ssub.s32 $0x2, s6;
	s4 =	sadd.s32 s3, s4;
	s3 =	simm.s32 $0x2  }
0x8: {  	[tilespmem:s2], [sflag:$0x2] =	stream.linear.gather [hbm4b:s4+s2], $0xC0, $0x38;
	[tilespmem:$0x6C0] =	vst v63  }
0x9: {  	s7 =	simm.s32 $0x1;
	s11 =	sshrl.u32 s10, $0x1;
	_ =	swait.ge [sflag:s3], $0xC0  }
0xa: {  	s5 =	sadd.s32 $0x400, s5;
	s10 =	ssub.s32 s10, s11;
	[sflag:s3] =	ssyncset.done $0x0  }
0xb: {  	s6 =	simm.s32 $0xC0;
	s31 =	smax.u32 s10, $0x1;
	[sflag:s3] =	ssyncadd.s32 $0xFFFFFF40  }
0xc: {  	[tilespmem:s6], [sflag:$0x1] =	stream.indirect.gather [hbm4b:s5+s6], $0x8, s2, s6, $0xb8;
	[tilespmem:$0x6C0] =	vst v63  }
0xd: {  	s9 =	smul.u32 $0xC0, s9;
	p0 =	sne.s32 s31, $0x1;
	_ =	swait.ge [sflag:s7], $0x600  }
.Ltmp0:
0xe: {  	[sflag:s7] =	ssyncset.done $0x0;
	(pc) =	sbr.rel @!p0 .LBB2_2-.Ltmp0, $4  }
0xf: {  	s8 =	sadd.s32 s8, s9;
	[sflag:s7] =	ssyncadd.s32 $0xFFFFFA00  }
0x10: {  	[hbm4b:s8+s2] =	stream.linear.scatter [tilespmem:s6], [sflag:$0x2], $0x600, $0x38;
	[tilespmem:$0x6C0] =	vst v63  }
0x11: {  	_ =	swait.ge [sflag:s3], $0x600  }
0x12: {  	s9 =	sadd.s32 $0xFFFFFFFF, s31;
	[sflag:s3] =	ssyncset.done $0x0  }
.LBB2_1:
0x13: {  	p0 =	sne.s32 s9, $0x1;
	s9 =	sadd.s32 $0xFFFFFFFF, s9;
	[sflag:s3] =	ssyncadd.s32 $0xFFFFFA00  }
0x14: {  	[tilespmem:s2], [sflag:$0x2] =	stream.linear.gather [hbm4b:s4+s2], $0xC0, $0x38;
	[tilespmem:$0x6C0] =	vst v63  }
0x15: {  	_ =	swait.ge [sflag:s3], $0xC0  }
0x16: {  	[sflag:s3] =	ssyncset.done $0x0  }
0x17: {  	[sflag:s3] =	ssyncadd.s32 $0xFFFFFF40  }
0x18: {  	[tilespmem:s6], [sflag:$0x1] =	stream.indirect.gather [hbm4b:s5+s6], $0x8, s2, s6, $0xb8;
	[tilespmem:$0x6C0] =	vst v63  }
0x19: {  	_ =	swait.ge [sflag:s7], $0x600  }
.Ltmp1:
0x1a: {  	[sflag:s7] =	ssyncset.done $0x0;
	(pc) =	sbr.rel @p0 .LBB2_1-.Ltmp1, $4  }
0x1b: {  	[sflag:s7] =	ssyncadd.s32 $0xFFFFFA00  }
0x1c: {  	[hbm4b:s8+s2] =	stream.linear.scatter [tilespmem:s6], [sflag:$0x2], $0x600, $0x38;
	[tilespmem:$0x6C0] =	vst v63  }
0x1d: {  	_ =	swait.ge [sflag:s3], $0x600  }
0x1e: {  	[sflag:s3] =	ssyncset.done $0x0  }
.LBB2_2:
0x1f: {  	[sflag:s3] =	ssyncadd.s32 $0xFFFFFA00  }
0x20: {  	_ =	sfence.sel $0x180000  }
0x21: {  	[bflag:$0x0] =	sbarrier.arrive $0xFFFF  }
0x22: {  	p0 =	sne.s32 s0, $0x0;
	_ =	strace $0x90000047  }
0x23: {  	s0 =	sadd.s32 @!p0 $0x100000, s1;
	[bflag:$0x2] =	sbarrier.arrive $0xFFFF  }
0x24: {  	[sflag:s0] =	ssyncadd.tile.s32 @!p0 $0x1;
	_ =	shalt  }
.Lfunc_end2:
_tile_overlayer_lowered:
.L_overlay_start_2:
0x25: {  	(tag) =	ssettag $0x2  }
0x26: {  	s0 =	rddreg [dreg:$0x0];
	s2 =	stileid.u32  }
0x27: {  	s1 =	rddreg [dreg:$0x1];
	p0 =	sne.s32 s2, $0x0  }
0x28: {  	s3 =	rddreg [dreg:$0x2];
	[bflag:$0x3] =	sbarrier.arrive $0xFFFF;
	s2 =	simm.s32 @!p0 $0x1C02  }
0x29: {  	[timem:s3], [sflag:s2] =	dma.local @!p0 [hbm:s0], s1  }
0x2a: {  	s0 =	simm.s32 @!p0 $0x2  }
0x2b: {  	_ =	swait.ge @!p0 [sflag:s0], s1  }
0x2c: {  	s1 =	ssub.s32 @!p0 $0x0, s1;
	[sflag:s0] =	ssyncset.done @!p0 $0x0  }
0x2d: {  	[sflag:s0] =	ssyncadd.s32 @!p0 s1  }
0x2e: {  	[bflag:$0x3] =	sbarrier.arrive $0xFFFF  }
0x2f: {  	_ =	shalt  }

</sc_bundles>
